<compile_context>
chip_gen: v7x
topology: tpu7x:2x2x1
jax: 0.10.2.dev20260603
libtpu: 0.0.44.dev20260713+nightly
codegen_flags: <defaults>
</compile_context>

<pallas_src>
import functools

import jax
import jax.numpy as jnp
import numpy as np
from jax.experimental import pallas as pl
from jax.experimental.pallas import tpu as pltpu

_N_BINS = 32
_R = 1.2
_BOUND = 50.0
_N_LENGTH = 16


def _np_mesh_constants():
    m = _N_BINS / 2
    x1L = _BOUND * (_R - 1.0) / (_R**m - 1.0)
    index = np.arange(0, _N_BINS + 1, dtype=np.float64).reshape(-1, 1) - m
    xr = np.where(index >= 0,
                  (1.0 - _R**index) / (1.0 - _R),
                  (1.0 - _R**np.abs(index)) / (1.0 - _R))
    xr = np.where(index >= 0, x1L * xr, -x1L * xr)
    xr = (xr + _BOUND) / 2.0 / _BOUND
    x1L_s = x1L / 2.0 / _BOUND
    mesh = np.concatenate([np.zeros((1, 1)), xr[1:-1, 0:1], np.ones((1, 1))], 0)
    elmt = (mesh[1:] - mesh[:-1]).reshape(-1, 1)
    return (mesh.astype(np.float32), elmt.astype(np.float32),
            np.float32(x1L_s))


_MESH, _ELMT, _X1L = _np_mesh_constants()
_TRI = (np.arange(_N_BINS)[:, None] > np.arange(_N_BINS)[None, :]).astype(np.float32)
_ACOEF = float((_R - 1.0) / _X1L)
_INV_LOG_R = float(1.0 / np.log(_R))
_D128 = np.tile(_MESH[:_N_BINS, :], (1, 128)).astype(np.float32)


def _prep_kernel(p_ref, elmt_ref, tri_ref, t_ref):
    p = p_ref[...]
    ep = jnp.exp(p)
    elmt = elmt_ref[...]
    w = (elmt[:-1] + elmt[1:]) / 2.0
    s = jnp.sum(ep * w, axis=0, keepdims=True)
    px = ((1.0 - float(_ELMT[0, 0])) / s) * ep
    one = jnp.ones((1, _N_LENGTH), jnp.float32)
    pdf = jnp.concatenate([one, px, one], axis=0)
    cell = (pdf[:-1] + pdf[1:]) / 2.0 * elmt
    f_ref = jnp.dot(tri_ref[...], cell,
                    preferred_element_type=jnp.float32,
                    precision=jax.lax.Precision.HIGHEST)
    b = pdf[:_N_BINS]
    c = (pdf[1:] - pdf[:-1]) / (2.0 * elmt)
    t_ref[...] = jnp.concatenate([f_ref, b, c], axis=0)


def _main_kernel(t_ref, x_ref, o_ref):
    t = t_ref[...]
    d128 = t[96:128]
    x = x_ref[...]
    xs = (x + _BOUND) * (0.5 / _BOUND)
    d = xs - 0.5
    tt = jnp.abs(d) * _ACOEF + 1.0
    mvar = jnp.floor(jnp.log(tt) * _INV_LOG_R)
    kf = jnp.where(d >= 0, 16.0 + mvar, 15.0 - mvar)
    inr = (kf >= 0.0) & (kf <= 31.0)
    ki = jnp.clip(kf, 0.0, 31.0).astype(jnp.int32)
    loc = jnp.bitwise_and(ki, 7)
    cid = jnp.right_shift(ki, 3)

    def gather8(tbl, idx):
        return jnp.take_along_axis(tbl, idx, axis=0, mode="promise_in_bounds")

    a = b = c = dm = None
    for ch in range(4):
        ga = gather8(t[ch * 8:(ch + 1) * 8], loc)
        gb = gather8(t[32 + ch * 8:32 + (ch + 1) * 8], loc)
        gc = gather8(t[64 + ch * 8:64 + (ch + 1) * 8], loc)
        gd = gather8(d128[ch * 8:(ch + 1) * 8], loc)
        if ch == 0:
            a, b, c, dm = ga, gb, gc, gd
        else:
            m = cid == ch
            a = jnp.where(m, ga, a)
            b = jnp.where(m, gb, b)
            c = jnp.where(m, gc, c)
            dm = jnp.where(m, gd, dm)
    xm = xs - dm
    y = a + xm * (b + xm * c)
    res = jnp.where(inr, y, xs)
    o_ref[...] = res * (2.0 * _BOUND) - _BOUND


_BR = 1024


@functools.partial(jax.jit, static_argnames=("interpret",))
def kernel(x, p, interpret=False):
    batch, n_len = x.shape
    total = batch * n_len
    rows = total // 128
    x_r = x.reshape(rows, 128)

    t16 = pl.pallas_call(
        _prep_kernel,
        out_shape=jax.ShapeDtypeStruct((96, _N_LENGTH), jnp.float32),
        interpret=interpret,
    )(p, jnp.asarray(_ELMT), jnp.asarray(_TRI))
    t128 = jnp.concatenate([jnp.tile(t16, (1, 8)), jnp.asarray(_D128)], axis=0)

    grid = rows // _BR
    y_r = pl.pallas_call(
        _main_kernel,
        grid=(grid,),
        in_specs=[
            pl.BlockSpec((128, 128), lambda i: (0, 0)),
            pl.BlockSpec((_BR, 128), lambda i: (i, 0)),
        ],
        out_specs=pl.BlockSpec((_BR, 128), lambda i: (i, 0)),
        out_shape=jax.ShapeDtypeStruct((rows, 128), jnp.float32),
        compiler_params=pltpu.CompilerParams(
            dimension_semantics=("parallel",),
        ),
        interpret=interpret,
    )(t128, x_r)
    return y_r.reshape(batch, n_len)

# --- scband reference (transcript-rebuilt; emitter-appended) ---
"""Pipeline reference for scband-scale-and-cdf-33715493273920 (READ-ONLY COPY).

The authoritative reference and input builder live on the scoring server;
editing this copy changes nothing except your own understanding.
"""

import jax, jax.numpy as jnp
import numpy as np

N_BINS = 32
R = 1.2
BOUND = 50.0
N_LENGTH = 16
BATCH = 1048576


def _mesh_constants():
    m = N_BINS / 2
    x1L = BOUND * (R - 1.0) / (R ** m - 1.0)
    index = jnp.arange(0, N_BINS + 1, dtype=jnp.float32).reshape(-1, 1)
    index = index - m
    xr = jnp.where(index >= 0,
                   (1.0 - R ** index) / (1.0 - R),
                   (1.0 - R ** jnp.abs(index)) / (1.0 - R))
    xr = jnp.where(index >= 0, x1L * xr, -x1L * xr)
    xr = xr.reshape(-1, 1)
    xr = (xr + BOUND) / 2.0 / BOUND
    x1L_s = x1L / 2.0 / BOUND
    mesh = jnp.concatenate([jnp.zeros((1, 1), jnp.float32),
                            xr[1:-1, 0:1],
                            jnp.ones((1, 1), jnp.float32)], 0)
    elmt_size = (mesh[1:] - mesh[:-1]).reshape(-1, 1)
    return mesh, elmt_size, x1L_s


def setup_inputs(seed: int = 0) -> dict:
    key = jax.random.key(seed)
    k1, k2 = jax.random.split(key)
    x = jax.random.normal(k1, (BATCH, N_LENGTH), dtype=jnp.float32)
    # learned pdf logits, shape (n_bins - 1, n_length)
    p = jax.random.normal(k2, (N_BINS - 1, N_LENGTH), dtype=jnp.float32) * 0.1
    return {"x": x, "p": p}


def reference(x, p):
    mesh, elmt_size, x1L = _mesh_constants()
    # _pdf_normalize
    p0 = jnp.ones((1, N_LENGTH), dtype=jnp.float32)
    px = jnp.exp(p) * (elmt_size[:-1] + elmt_size[1:]) / 2.0
    px = (1.0 - elmt_size[0]) / jnp.sum(px, 0, keepdims=True)
    px = px * jnp.exp(p)
    pdf = jnp.concatenate([p0, px, p0], 0)  # (n_bins+1, L)
    cell = (pdf[:-1, :] + pdf[1:, :]) / 2.0 * elmt_size  # (n_bins, L)
    F_ref = jnp.concatenate([jnp.zeros((1, N_LENGTH), jnp.float32),
                             jnp.cumsum(cell, 0)[:N_BINS - 1]], 0)  # (n_bins, L)
    # forward (reverse=False, logdet=None)
    xs = (x + BOUND) / 2.0 / BOUND
    x_sign = jnp.sign(xs - 0.5)
    mvar = jnp.floor(jnp.log(jnp.abs(xs - 0.5) * (R - 1.0) / x1L + 1.0) / jnp.log(R))
    k_ind = jnp.where(x_sign >= 0, N_BINS / 2 + mvar, N_BINS / 2 - mvar - 1.0)
    k_ind = k_ind.astype(jnp.int32)
    cover = jnp.where(k_ind * (k_ind - N_BINS + 1) <= 0, 1.0, 0.0)
    k_ind = jnp.clip(k_ind, 0, N_BINS - 1)
    cols = jnp.arange(N_LENGTH)[None, :]
    v1 = pdf[k_ind, cols]
    v2 = pdf[k_ind + 1, cols]
    xmodi = xs - mesh[:, 0][k_ind]
    h_list = elmt_size[:, 0][k_ind]
    F_pre = F_ref[k_ind, cols]
    y = jnp.where(cover > 0,
                  F_pre + xmodi ** 2 / 2.0 * (v2 - v1) / h_list + xmodi * v1,
                  xs)
    return y * 2.0 * BOUND - BOUND

if __name__ == "__main__":
    import jax
    _d = setup_inputs()
    print(jax.jit(kernel)(*tuple(_d.values())))

</pallas_src>

<mosaic_0001>
module attributes {stable_mosaic.version = 14 : i64} {
  func.func @_prep_kernel(%arg0: memref<31x16xf32, #tpu.memory_space<vmem>>, %arg1: memref<32x1xf32, #tpu.memory_space<vmem>>, %arg2: memref<32x32xf32, #tpu.memory_space<vmem>>, %arg3: memref<96x16xf32, #tpu.memory_space<vmem>>) attributes {dimension_semantics = [], scalar_prefetch = 0 : i64, scratch_operands = 0 : i64, tpu.core_type = #tpu.core_type<tc>} {
    %get3A = arith.constant 0 : index
    %get3A_0 = arith.constant 0 : index
    %get3A_1 = vector.load %arg0[%get3A, %get3A_0] : memref<31x16xf32, #tpu.memory_space<vmem>>, vector<31x16xf32>
    %exp3A = math.exp %get3A_1 : vector<31x16xf32>
    %get3A_2 = arith.constant 0 : index
    %get3A_3 = arith.constant 0 : index
    %get3A_4 = vector.load %arg1[%get3A_2, %get3A_3] : memref<32x1xf32, #tpu.memory_space<vmem>>, vector<32x1xf32>
    %slice3A = vector.extract_strided_slice %get3A_4 {offsets = [0, 0], sizes = [31, 1], strides = [1, 1]} : vector<32x1xf32> to vector<31x1xf32>
    %slice3A_5 = vector.extract_strided_slice %get3A_4 {offsets = [1, 0], sizes = [31, 1], strides = [1, 1]} : vector<32x1xf32> to vector<31x1xf32>
    %add3A = arith.addf %slice3A, %slice3A_5 : vector<31x1xf32>
    %div3A = arith.constant 2.000000e+00 : f32
    %div3A_6 = vector.broadcast %div3A : f32 to vector<31x1xf32>
    %div3A_7 = arith.divf %add3A, %div3A_6 : vector<31x1xf32>
    %mul3A = vector.broadcast %div3A_7 : vector<31x1xf32> to vector<31x16xf32>
    %mul3A_8 = arith.mulf %exp3A, %mul3A : vector<31x16xf32>
    %reduce_sum3A = arith.constant dense<0.000000e+00> : vector<16xf32>
    %reduce_sum3A_9 = vector.multi_reduction <add>, %mul3A_8, %reduce_sum3A [0] : vector<31x16xf32> to vector<16xf32>
    %broadcast_in_dim3A = vector.shape_cast %reduce_sum3A_9 : vector<16xf32> to vector<1x16xf32>
    %div3A_10 = arith.constant 0.911901593 : f32
    %div3A_11 = vector.broadcast %div3A_10 : f32 to vector<1x16xf32>
    %div3A_12 = arith.divf %div3A_11, %broadcast_in_dim3A : vector<1x16xf32>
    %mul3A_13 = vector.broadcast %div3A_12 : vector<1x16xf32> to vector<31x16xf32>
    %mul3A_14 = arith.mulf %mul3A_13, %exp3A : vector<31x16xf32>
    %broadcast_in_dim3A_15 = arith.constant 1.000000e+00 : f32
    %broadcast_in_dim3A_16 = vector.broadcast %broadcast_in_dim3A_15 : f32 to vector<1x16xf32>
    %concatenate3A = tpu.concatenate %broadcast_in_dim3A_16, %mul3A_14, %broadcast_in_dim3A_16 in 0 : vector<1x16xf32>, vector<31x16xf32>, vector<1x16xf32> -> vector<33x16xf32>
    %slice3A_17 = vector.extract_strided_slice %concatenate3A {offsets = [0, 0], sizes = [32, 16], strides = [1, 1]} : vector<33x16xf32> to vector<32x16xf32>
    %slice3A_18 = vector.extract_strided_slice %concatenate3A {offsets = [1, 0], sizes = [32, 16], strides = [1, 1]} : vector<33x16xf32> to vector<32x16xf32>
    %add3A_19 = arith.addf %slice3A_17, %slice3A_18 : vector<32x16xf32>
    %div3A_20 = arith.constant 2.000000e+00 : f32
    %div3A_21 = vector.broadcast %div3A_20 : f32 to vector<32x16xf32>
    %div3A_22 = arith.divf %add3A_19, %div3A_21 : vector<32x16xf32>
    %mul3A_23 = vector.broadcast %get3A_4 : vector<32x1xf32> to vector<32x16xf32>
    %mul3A_24 = arith.mulf %div3A_22, %mul3A_23 : vector<32x16xf32>
    %get3A_25 = arith.constant 0 : index
    %get3A_26 = arith.constant 0 : index
    %get3A_27 = vector.load %arg2[%get3A_25, %get3A_26] : memref<32x32xf32, #tpu.memory_space<vmem>>, vector<32x32xf32>
    %dot_general3A = arith.constant dense<0.000000e+00> : vector<32x16xf32>
    %dot_general3A_28 = tpu.matmul %get3A_27, %mul3A_24, %dot_general3A {dimension_numbers = #tpu.dot_dimension_numbers<[1], [0], [0], [1], [0, 0, 1, 1], [], []>, precision = #tpu.contract_precision<fp32>, transpose_lhs_hint = false} : vector<32x32xf32>, vector<32x16xf32>, vector<32x16xf32> -> vector<32x16xf32>
    %slice3A_29 = vector.extract_strided_slice %concatenate3A {offsets = [0, 0], sizes = [32, 16], strides = [1, 1]} : vector<33x16xf32> to vector<32x16xf32>
    %slice3A_30 = vector.extract_strided_slice %concatenate3A {offsets = [1, 0], sizes = [32, 16], strides = [1, 1]} : vector<33x16xf32> to vector<32x16xf32>
    %slice3A_31 = vector.extract_strided_slice %concatenate3A {offsets = [0, 0], sizes = [32, 16], strides = [1, 1]} : vector<33x16xf32> to vector<32x16xf32>
    %sub3A = arith.subf %slice3A_30, %slice3A_31 : vector<32x16xf32>
    %mul3A_32 = arith.constant 2.000000e+00 : f32
    %mul3A_33 = vector.broadcast %mul3A_32 : f32 to vector<32x1xf32>
    %mul3A_34 = arith.mulf %mul3A_33, %get3A_4 : vector<32x1xf32>
    %div3A_35 = vector.broadcast %mul3A_34 : vector<32x1xf32> to vector<32x16xf32>
    %div3A_36 = arith.divf %sub3A, %div3A_35 : vector<32x16xf32>
    %concatenate3A_37 = tpu.concatenate %dot_general3A_28, %slice3A_29, %div3A_36 in 0 : vector<32x16xf32>, vector<32x16xf32>, vector<32x16xf32> -> vector<96x16xf32>
    %swap3A = arith.constant 0 : index
    %swap3A_38 = arith.constant 0 : index
    %swap3A_39 = vector.load %arg3[%swap3A, %swap3A_38] : memref<96x16xf32, #tpu.memory_space<vmem>>, vector<96x16xf32>
    tpu.vector_store %arg3[%swap3A, %swap3A_38], %concatenate3A_37 {strides = array<i32>} : memref<96x16xf32, #tpu.memory_space<vmem>>, vector<96x16xf32>,
    return
  }
}

module attributes {stable_mosaic.version = 14 : i64} {
  func.func @_main_kernel(%arg0: i32, %arg1: memref<128x128xf32, #tpu.memory_space<vmem>>, %arg2: memref<1024x128xf32, #tpu.memory_space<vmem>>, %arg3: memref<1024x128xf32, #tpu.memory_space<vmem>>) attributes {dimension_semantics = [#tpu.dimension_semantics<parallel>], iteration_bounds = array<i64: 128>, scalar_prefetch = 0 : i64, scratch_operands = 0 : i64, tpu.core_type = #tpu.core_type<tc>, window_params = [{pipeline_mode = #tpu.pipeline_mode<synchronous>, transform_indices = @transform_0, window_bounds = array<i64: 128, 128>}, {transform_indices = @transform_1, window_bounds = array<i64: 1024, 128>}, {transform_indices = @transform_2, window_bounds = array<i64: 1024, 128>}]} {
    %get3A = arith.constant 0 : index
    %get3A_0 = arith.constant 0 : index
    %get3A_1 = vector.load %arg1[%get3A, %get3A_0] : memref<128x128xf32, #tpu.memory_space<vmem>>, vector<128x128xf32>
    %slice3A = vector.extract_strided_slice %get3A_1 {offsets = [96, 0], sizes = [32, 128], strides = [1, 1]} : vector<128x128xf32> to vector<32x128xf32>
    %get3A_2 = arith.constant 0 : index
    %get3A_3 = arith.constant 0 : index
    %get3A_4 = vector.load %arg2[%get3A_2, %get3A_3] : memref<1024x128xf32, #tpu.memory_space<vmem>>, vector<1024x128xf32>
    %add3A = arith.constant 5.000000e+01 : f32
    %add3A_5 = vector.broadcast %add3A : f32 to vector<1024x128xf32>
    %add3A_6 = arith.addf %get3A_4, %add3A_5 : vector<1024x128xf32>
    %mul3A = arith.constant 0.00999999977 : f32
    %mul3A_7 = vector.broadcast %mul3A : f32 to vector<1024x128xf32>
    %mul3A_8 = arith.mulf %add3A_6, %mul3A_7 : vector<1024x128xf32>
    %sub3A = arith.constant 5.000000e-01 : f32
    %sub3A_9 = vector.broadcast %sub3A : f32 to vector<1024x128xf32>
    %sub3A_10 = arith.subf %mul3A_8, %sub3A_9 : vector<1024x128xf32>
    %abs3A = math.absf %sub3A_10 : vector<1024x128xf32>
    %mul3A_11 = arith.constant 34.9768524 : f32
    %mul3A_12 = vector.broadcast %mul3A_11 : f32 to vector<1024x128xf32>
    %mul3A_13 = arith.mulf %abs3A, %mul3A_12 : vector<1024x128xf32>
    %add3A_14 = arith.constant 1.000000e+00 : f32
    %add3A_15 = vector.broadcast %add3A_14 : f32 to vector<1024x128xf32>
    %add3A_16 = arith.addf %mul3A_13, %add3A_15 : vector<1024x128xf32>
    %log3A = math.log %add3A_16 : vector<1024x128xf32>
    %mul3A_17 = arith.constant 5.48481512 : f32
    %mul3A_18 = vector.broadcast %mul3A_17 : f32 to vector<1024x128xf32>
    %mul3A_19 = arith.mulf %log3A, %mul3A_18 : vector<1024x128xf32>
    %floor3A = math.floor %mul3A_19 : vector<1024x128xf32>
    %ge3A = arith.constant 0.000000e+00 : f32
    %ge3A_20 = vector.broadcast %ge3A : f32 to vector<1024x128xf32>
    %ge3A_21 = arith.cmpf oge, %sub3A_10, %ge3A_20 : vector<1024x128xf32>
    %add3A_22 = arith.constant 1.600000e+01 : f32
    %add3A_23 = vector.broadcast %add3A_22 : f32 to vector<1024x128xf32>
    %add3A_24 = arith.addf %add3A_23, %floor3A : vector<1024x128xf32>
    %sub3A_25 = arith.constant 1.500000e+01 : f32
    %sub3A_26 = vector.broadcast %sub3A_25 : f32 to vector<1024x128xf32>
    %sub3A_27 = arith.subf %sub3A_26, %floor3A : vector<1024x128xf32>
    %select_n3A = arith.select %ge3A_21, %add3A_24, %sub3A_27 : vector<1024x128xi1>, vector<1024x128xf32>
    %ge3A_28 = arith.constant 0.000000e+00 : f32
    %ge3A_29 = vector.broadcast %ge3A_28 : f32 to vector<1024x128xf32>
    %ge3A_30 = arith.cmpf oge, %select_n3A, %ge3A_29 : vector<1024x128xf32>
    %le3A = arith.constant 3.100000e+01 : f32
    %le3A_31 = vector.broadcast %le3A : f32 to vector<1024x128xf32>
    %le3A_32 = arith.cmpf ole, %select_n3A, %le3A_31 : vector<1024x128xf32>
    %and3A = arith.andi %ge3A_30, %le3A_32 : vector<1024x128xi1>
    %jit3A = arith.constant 0.000000e+00 : f32
    %jit3A_33 = arith.constant 3.100000e+01 : f32
    %max3A = vector.broadcast %jit3A : f32 to vector<1024x128xf32>
    %max3A_34 = arith.maximumf %max3A, %select_n3A : vector<1024x128xf32>
    %min3A = vector.broadcast %jit3A_33 : f32 to vector<1024x128xf32>
    %min3A_35 = arith.minimumf %min3A, %max3A_34 : vector<1024x128xf32>
    %convert_element_type3A = arith.fptosi %min3A_35 : vector<1024x128xf32> to vector<1024x128xi32>
    %and3A_36 = arith.constant 7 : i32
    %and3A_37 = vector.broadcast %and3A_36 : i32 to vector<1024x128xi32>
    %and3A_38 = arith.andi %convert_element_type3A, %and3A_37 : vector<1024x128xi32>
    %shift_right_arithmetic3A = arith.constant 3 : i32
    %shift_right_arithmetic3A_39 = vector.broadcast %shift_right_arithmetic3A : i32 to vector<1024x128xi32>
    %shift_right_arithmetic3A_40 = arith.shrsi %convert_element_type3A, %shift_right_arithmetic3A_39 : vector<1024x128xi32>
    %slice3A_41 = vector.extract_strided_slice %get3A_1 {offsets = [0, 0], sizes = [8, 128], strides = [1, 1]} : vector<128x128xf32> to vector<8x128xf32>
    %reshape3A = vector.shape_cast %and3A_38 : vector<1024x128xi32> to vector<1024x128x1xi32>
    %gather3A = vector.shape_cast %reshape3A : vector<1024x128x1xi32> to vector<1024x128xi32>
    %gather3A_42 = tpu.dynamic_gather %slice3A_41[%gather3A] in [0] : vector<8x128xf32>, vector<1024x128xi32> -> vector<1024x128xf32>
    %slice3A_43 = vector.extract_strided_slice %get3A_1 {offsets = [32, 0], sizes = [8, 128], strides = [1, 1]} : vector<128x128xf32> to vector<8x128xf32>
    %reshape3A_44 = vector.shape_cast %and3A_38 : vector<1024x128xi32> to vector<1024x128x1xi32>
    %gather3A_45 = vector.shape_cast %reshape3A_44 : vector<1024x128x1xi32> to vector<1024x128xi32>
    %gather3A_46 = tpu.dynamic_gather %slice3A_43[%gather3A_45] in [0] : vector<8x128xf32>, vector<1024x128xi32> -> vector<1024x128xf32>
    %slice3A_47 = vector.extract_strided_slice %get3A_1 {offsets = [64, 0], sizes = [8, 128], strides = [1, 1]} : vector<128x128xf32> to vector<8x128xf32>
    %reshape3A_48 = vector.shape_cast %and3A_38 : vector<1024x128xi32> to vector<1024x128x1xi32>
    %gather3A_49 = vector.shape_cast %reshape3A_48 : vector<1024x128x1xi32> to vector<1024x128xi32>
    %gather3A_50 = tpu.dynamic_gather %slice3A_47[%gather3A_49] in [0] : vector<8x128xf32>, vector<1024x128xi32> -> vector<1024x128xf32>
    %slice3A_51 = vector.extract_strided_slice %slice3A {offsets = [0, 0], sizes = [8, 128], strides = [1, 1]} : vector<32x128xf32> to vector<8x128xf32>
    %reshape3A_52 = vector.shape_cast %and3A_38 : vector<1024x128xi32> to vector<1024x128x1xi32>
    %gather3A_53 = vector.shape_cast %reshape3A_52 : vector<1024x128x1xi32> to vector<1024x128xi32>
    %gather3A_54 = tpu.dynamic_gather %slice3A_51[%gather3A_53] in [0] : vector<8x128xf32>, vector<1024x128xi32> -> vector<1024x128xf32>
    %slice3A_55 = vector.extract_strided_slice %get3A_1 {offsets = [8, 0], sizes = [8, 128], strides = [1, 1]} : vector<128x128xf32> to vector<8x128xf32>
    %reshape3A_56 = vector.shape_cast %and3A_38 : vector<1024x128xi32> to vector<1024x128x1xi32>
    %gather3A_57 = vector.shape_cast %reshape3A_56 : vector<1024x128x1xi32> to vector<1024x128xi32>
    %gather3A_58 = tpu.dynamic_gather %slice3A_55[%gather3A_57] in [0] : vector<8x128xf32>, vector<1024x128xi32> -> vector<1024x128xf32>
    %slice3A_59 = vector.extract_strided_slice %get3A_1 {offsets = [40, 0], sizes = [8, 128], strides = [1, 1]} : vector<128x128xf32> to vector<8x128xf32>
    %reshape3A_60 = vector.shape_cast %and3A_38 : vector<1024x128xi32> to vector<1024x128x1xi32>
    %gather3A_61 = vector.shape_cast %reshape3A_60 : vector<1024x128x1xi32> to vector<1024x128xi32>
    %gather3A_62 = tpu.dynamic_gather %slice3A_59[%gather3A_61] in [0] : vector<8x128xf32>, vector<1024x128xi32> -> vector<1024x128xf32>
    %slice3A_63 = vector.extract_strided_slice %get3A_1 {offsets = [72, 0], sizes = [8, 128], strides = [1, 1]} : vector<128x128xf32> to vector<8x128xf32>
    %reshape3A_64 = vector.shape_cast %and3A_38 : vector<1024x128xi32> to vector<1024x128x1xi32>
    %gather3A_65 = vector.shape_cast %reshape3A_64 : vector<1024x128x1xi32> to vector<1024x128xi32>
    %gather3A_66 = tpu.dynamic_gather %slice3A_63[%gather3A_65] in [0] : vector<8x128xf32>, vector<1024x128xi32> -> vector<1024x128xf32>
    %slice3A_67 = vector.extract_strided_slice %slice3A {offsets = [8, 0], sizes = [8, 128], strides = [1, 1]} : vector<32x128xf32> to vector<8x128xf32>
    %reshape3A_68 = vector.shape_cast %and3A_38 : vector<1024x128xi32> to vector<1024x128x1xi32>
    %gather3A_69 = vector.shape_cast %reshape3A_68 : vector<1024x128x1xi32> to vector<1024x128xi32>
    %gather3A_70 = tpu.dynamic_gather %slice3A_67[%gather3A_69] in [0] : vector<8x128xf32>, vector<1024x128xi32> -> vector<1024x128xf32>
    %eq3A = arith.constant 1 : i32
    %eq3A_71 = vector.broadcast %eq3A : i32 to vector<1024x128xi32>
    %eq3A_72 = arith.cmpi eq, %shift_right_arithmetic3A_40, %eq3A_71 : vector<1024x128xi32>
    %select_n3A_73 = arith.select %eq3A_72, %gather3A_58, %gather3A_42 : vector<1024x128xi1>, vector<1024x128xf32>
    %select_n3A_74 = arith.select %eq3A_72, %gather3A_62, %gather3A_46 : vector<1024x128xi1>, vector<1024x128xf32>
    %select_n3A_75 = arith.select %eq3A_72, %gather3A_66, %gather3A_50 : vector<1024x128xi1>, vector<1024x128xf32>
    %select_n3A_76 = arith.select %eq3A_72, %gather3A_70, %gather3A_54 : vector<1024x128xi1>, vector<1024x128xf32>
    %slice3A_77 = vector.extract_strided_slice %get3A_1 {offsets = [16, 0], sizes = [8, 128], strides = [1, 1]} : vector<128x128xf32> to vector<8x128xf32>
    %reshape3A_78 = vector.shape_cast %and3A_38 : vector<1024x128xi32> to vector<1024x128x1xi32>
    %gather3A_79 = vector.shape_cast %reshape3A_78 : vector<1024x128x1xi32> to vector<1024x128xi32>
    %gather3A_80 = tpu.dynamic_gather %slice3A_77[%gather3A_79] in [0] : vector<8x128xf32>, vector<1024x128xi32> -> vector<1024x128xf32>
    %slice3A_81 = vector.extract_strided_slice %get3A_1 {offsets = [48, 0], sizes = [8, 128], strides = [1, 1]} : vector<128x128xf32> to vector<8x128xf32>
    %reshape3A_82 = vector.shape_cast %and3A_38 : vector<1024x128xi32> to vector<1024x128x1xi32>
    %gather3A_83 = vector.shape_cast %reshape3A_82 : vector<1024x128x1xi32> to vector<1024x128xi32>
    %gather3A_84 = tpu.dynamic_gather %slice3A_81[%gather3A_83] in [0] : vector<8x128xf32>, vector<1024x128xi32> -> vector<1024x128xf32>
    %slice3A_85 = vector.extract_strided_slice %get3A_1 {offsets = [80, 0], sizes = [8, 128], strides = [1, 1]} : vector<128x128xf32> to vector<8x128xf32>
    %reshape3A_86 = vector.shape_cast %and3A_38 : vector<1024x128xi32> to vector<1024x128x1xi32>
    %gather3A_87 = vector.shape_cast %reshape3A_86 : vector<1024x128x1xi32> to vector<1024x128xi32>
    %gather3A_88 = tpu.dynamic_gather %slice3A_85[%gather3A_87] in [0] : vector<8x128xf32>, vector<1024x128xi32> -> vector<1024x128xf32>
    %slice3A_89 = vector.extract_strided_slice %slice3A {offsets = [16, 0], sizes = [8, 128], strides = [1, 1]} : vector<32x128xf32> to vector<8x128xf32>
    %reshape3A_90 = vector.shape_cast %and3A_38 : vector<1024x128xi32> to vector<1024x128x1xi32>
    %gather3A_91 = vector.shape_cast %reshape3A_90 : vector<1024x128x1xi32> to vector<1024x128xi32>
    %gather3A_92 = tpu.dynamic_gather %slice3A_89[%gather3A_91] in [0] : vector<8x128xf32>, vector<1024x128xi32> -> vector<1024x128xf32>
    %eq3A_93 = arith.constant 2 : i32
    %eq3A_94 = vector.broadcast %eq3A_93 : i32 to vector<1024x128xi32>
    %eq3A_95 = arith.cmpi eq, %shift_right_arithmetic3A_40, %eq3A_94 : vector<1024x128xi32>
    %select_n3A_96 = arith.select %eq3A_95, %gather3A_80, %select_n3A_73 : vector<1024x128xi1>, vector<1024x128xf32>
    %select_n3A_97 = arith.select %eq3A_95, %gather3A_84, %select_n3A_74 : vector<1024x128xi1>, vector<1024x128xf32>
    %select_n3A_98 = arith.select %eq3A_95, %gather3A_88, %select_n3A_75 : vector<1024x128xi1>, vector<1024x128xf32>
    %select_n3A_99 = arith.select %eq3A_95, %gather3A_92, %select_n3A_76 : vector<1024x128xi1>, vector<1024x128xf32>
    %slice3A_100 = vector.extract_strided_slice %get3A_1 {offsets = [24, 0], sizes = [8, 128], strides = [1, 1]} : vector<128x128xf32> to vector<8x128xf32>
    %reshape3A_101 = vector.shape_cast %and3A_38 : vector<1024x128xi32> to vector<1024x128x1xi32>
    %gather3A_102 = vector.shape_cast %reshape3A_101 : vector<1024x128x1xi32> to vector<1024x128xi32>
    %gather3A_103 = tpu.dynamic_gather %slice3A_100[%gather3A_102] in [0] : vector<8x128xf32>, vector<1024x128xi32> -> vector<1024x128xf32>
    %slice3A_104 = vector.extract_strided_slice %get3A_1 {offsets = [56, 0], sizes = [8, 128], strides = [1, 1]} : vector<128x128xf32> to vector<8x128xf32>
    %reshape3A_105 = vector.shape_cast %and3A_38 : vector<1024x128xi32> to vector<1024x128x1xi32>
    %gather3A_106 = vector.shape_cast %reshape3A_105 : vector<1024x128x1xi32> to vector<1024x128xi32>
    %gather3A_107 = tpu.dynamic_gather %slice3A_104[%gather3A_106] in [0] : vector<8x128xf32>, vector<1024x128xi32> -> vector<1024x128xf32>
    %slice3A_108 = vector.extract_strided_slice %get3A_1 {offsets = [88, 0], sizes = [8, 128], strides = [1, 1]} : vector<128x128xf32> to vector<8x128xf32>
    %reshape3A_109 = vector.shape_cast %and3A_38 : vector<1024x128xi32> to vector<1024x128x1xi32>
    %gather3A_110 = vector.shape_cast %reshape3A_109 : vector<1024x128x1xi32> to vector<1024x128xi32>
    %gather3A_111 = tpu.dynamic_gather %slice3A_108[%gather3A_110] in [0] : vector<8x128xf32>, vector<1024x128xi32> -> vector<1024x128xf32>
    %slice3A_112 = vector.extract_strided_slice %slice3A {offsets = [24, 0], sizes = [8, 128], strides = [1, 1]} : vector<32x128xf32> to vector<8x128xf32>
    %reshape3A_113 = vector.shape_cast %and3A_38 : vector<1024x128xi32> to vector<1024x128x1xi32>
    %gather3A_114 = vector.shape_cast %reshape3A_113 : vector<1024x128x1xi32> to vector<1024x128xi32>
    %gather3A_115 = tpu.dynamic_gather %slice3A_112[%gather3A_114] in [0] : vector<8x128xf32>, vector<1024x128xi32> -> vector<1024x128xf32>
    %eq3A_116 = arith.constant 3 : i32
    %eq3A_117 = vector.broadcast %eq3A_116 : i32 to vector<1024x128xi32>
    %eq3A_118 = arith.cmpi eq, %shift_right_arithmetic3A_40, %eq3A_117 : vector<1024x128xi32>
    %select_n3A_119 = arith.select %eq3A_118, %gather3A_103, %select_n3A_96 : vector<1024x128xi1>, vector<1024x128xf32>
    %select_n3A_120 = arith.select %eq3A_118, %gather3A_107, %select_n3A_97 : vector<1024x128xi1>, vector<1024x128xf32>
    %select_n3A_121 = arith.select %eq3A_118, %gather3A_111, %select_n3A_98 : vector<1024x128xi1>, vector<1024x128xf32>
    %select_n3A_122 = arith.select %eq3A_118, %gather3A_115, %select_n3A_99 : vector<1024x128xi1>, vector<1024x128xf32>
    %sub3A_123 = arith.subf %mul3A_8, %select_n3A_122 : vector<1024x128xf32>
    %mul3A_124 = arith.mulf %sub3A_123, %select_n3A_121 : vector<1024x128xf32>
    %add3A_125 = arith.addf %select_n3A_120, %mul3A_124 : vector<1024x128xf32>
    %mul3A_126 = arith.mulf %sub3A_123, %add3A_125 : vector<1024x128xf32>
    %add3A_127 = arith.addf %select_n3A_119, %mul3A_126 : vector<1024x128xf32>
    %select_n3A_128 = arith.select %and3A, %add3A_127, %mul3A_8 : vector<1024x128xi1>, vector<1024x128xf32>
    %mul3A_129 = arith.constant 1.000000e+02 : f32
    %mul3A_130 = vector.broadcast %mul3A_129 : f32 to vector<1024x128xf32>
    %mul3A_131 = arith.mulf %select_n3A_128, %mul3A_130 : vector<1024x128xf32>
    %sub3A_132 = arith.constant 5.000000e+01 : f32
    %sub3A_133 = vector.broadcast %sub3A_132 : f32 to vector<1024x128xf32>
    %sub3A_134 = arith.subf %mul3A_131, %sub3A_133 : vector<1024x128xf32>
    %swap3A = arith.constant 0 : index
    %swap3A_135 = arith.constant 0 : index
    %swap3A_136 = vector.load %arg3[%swap3A, %swap3A_135] : memref<1024x128xf32, #tpu.memory_space<vmem>>, vector<1024x128xf32>
    tpu.vector_store %arg3[%swap3A, %swap3A_135], %sub3A_134 {strides = array<i32>} : memref<1024x128xf32, #tpu.memory_space<vmem>>, vector<1024x128xf32>,
    return
  }
  func.func @transform_0(%arg0: i32) -> (i32, i32) {
    %c0_i32 = arith.constant 0 : i32
    %c0_i32_0 = arith.constant 0 : i32
    %c0_i32_1 = arith.constant 0 : i32
    return %c0_i32, %c0_i32_0 : i32, i32
  }
  func.func @transform_1(%arg0: i32) -> (i32, i32) {
    %c0_i32 = arith.constant 0 : i32
    %c0_i32_0 = arith.constant 0 : i32
    return %arg0, %c0_i32 : i32, i32
  }
  func.func @transform_2(%arg0: i32) -> (i32, i32) {
    %c0_i32 = arith.constant 0 : i32
    %c0_i32_0 = arith.constant 0 : i32
    return %arg0, %c0_i32 : i32, i32
  }
}

</mosaic_0001>

<sc_bundles>
// kernel: sparse-core-data-format-call.cloned.1.call-start
scs
called_computation_lowered:
.L_overlay_start_0:
0x0: {  	s2 =	sld [smem:$0x3FD9]  }
0x1: {  	s3 =	sld [smem:$0x3FFE];
	_ =	sdelay $0x1  }
0x2: {  	s1 =	srdreg.scid  }
0x3: {  	s0 =	sand.u32 $0x1, s1  }
0x4: {  	s18 =	sshll.u32 s0, $0xA;
	s2 =	sadd.s32 s3, s2  }
0x5: {  	s2 =	sadd.s32 s2, s18  }
0x6: {  	[smem:$0x3FC6] =	sst s2  }
0x7: {  	_ = 	snop  }
0x8: {  	s2 =	sld [smem:$0x3FD0];
	(tm) =	ssettm $0x1  }
0x9: {  	s19 =	sld [smem:$0x3FFB];
	_ =	sdelay $0x3  }
0xa: {  	_ =	strace s19  }
0xb: {  	s3 =	sld [smem:$0x3FFC];
	_ =	sdelay $0x3  }
0xc: {  	_ =	strace s3  }
0xd: {  	s3 =	sld [smem:$0x3FFD];
	_ =	sdelay $0x3  }
0xe: {  	_ =	strace s3  }
0xf: {  	_ =	strace $0x8FFFFFFF  }
0x10: {  	s20 =	sld [smem:$0x3FDB];
	_ =	sdelay $0x1  }
0x11: {  	s4 =	simm.s32 $_scs_section_size  }
0x12: {  	s5 =	simm.s32 $_size__tile_overlayer_lowered;
	s6 =	simm.s32 $_tile_overlayer_lowered  }
0x13: {  	s23 =	simm.s32 $0x1BFF;
	s22 =	sshll.u32 s6, $0x1;
	s3 =	sadd.s32 s4, s20  }
0x14: {  	s7 =	simm.s32 $0x0;
	s21 =	sshll.u32 s5, $0x1;
	s5 =	sadd.s32 s22, s3  }
0x15: {  	[timem:s7], [sflag:s23] =	dma.local [hbm:s5], s21  }
0x16: {  	_ =	swait.ge [sflag:s23], s21  }
0x17: {  	s4 =	ssub.s32 $0x0, s21;
	[sflag:s23] =	ssyncset.done $0x0  }
0x18: {  	[sflag:s23] =	ssyncadd.s32 s4;
	_ =	sdelay $0x1  }
0x19: {  	s24 =	simm.s32 $0x1B8B  }
0x1a: {  	_ =	swait.ge [sflag:s24], $0x1  }
0x1b: {  	[sflag:s24] =	ssyncset.done $0x0  }
0x1c: {  	s26 =	simm.s32 $0x1B8E;
	s25 =	sld [smem:$0x3FFE];
	[sflag:s24] =	ssyncadd.s32 $0xFFFFFFFF  }
0x1d: {  	s27 =	simm.s32 $execute0_lowered;
	[smem:$0x3FD2] =	sst s26  }
0x1e: {  	s5 =	sshll.u32 s27, $0x1;
	_ =	strace $0x80000046;
	[dreg:$0x1] =	wrdreg $0xFFFFFFFF  }
0x1f: {  	s28 =	simm.s32 $_size_execute0_lowered;
	s3 =	sadd.s32 s3, s5;
	[dreg:$0x0] =	wrdreg $0x0  }
0x20: {  	s5 =	sshll.u32 s28, $0x1;
	[dreg:$0x2] =	wrdreg s3  }
0x21: {  	[dreg:$0x3] =	wrdreg s5  }
0x22: {  	[dreg:$0x4] =	wrdreg $0xC0  }
0x23: {  	_ =	task [dreg:s7], $0x5FFFF  }
0x24: {  	[dreg:$0x1] =	wrdreg $0xFFFFFFFF  }
0x25: {  	[dreg:$0x0] =	wrdreg $0x60  }
0x26: {  	[dreg:$0x2] =	wrdreg s25  }
0x27: {  	[dreg:$0x3] =	wrdreg s2  }
0x28: {  	[dreg:$0x4] =	wrdreg $0x9  }
0x29: {  	_ =	task.clear_ibuf [dreg:s7], $0x5FFFF;
	_ =	strace $0x90000046  }
0x2a: {  	s29 =	simm.s32 $0x9;
	_ =	strace $0x80000048  }
0x2b: {  	_ =	swait.ge [sflag:s29], $0x1  }
0x2c: {  	[sflag:s29] =	ssyncadd.s32 $0xFFFFFFFF  }
0x2d: {  	_ =	strace $0x90000048  }
0x2e: {  	_ =	sfence  }
0x2f: {  	s30 =	sld [smem:$0x0];
	_ =	sdelay $0x2  }
0x30: {  	s31 =	sshll.u32 s1, $0xD;
	s1 =	sshrl.u32 s1, $0x2  }
0x31: {  	s3 =	sand.u32 $0x4000, s31;
	s1 =	sadd.s32 s1, s30  }
0x32: {  	s0 =	sor.u32 s3, s0;
	s1 =	sshll.u32 s1, $0x11  }
0x33: {  	s0 =	sor.u32 s1, s0  }
0x34: {  	s0 =	sadd.s32 $0x8F2B, s0  }
0x35: {  	[sflag:s0] =	ssyncadd.remote.s32 $0x1  }
0x36: {  	_ =	sfence.sel $0xFFFF  }
0x37: {  	[dreg:$0x0] =	wrdreg $0xFFFFFFFF;
	(pc) =	sbr.abs _section_cstart, $3  }
0x38: {  	[dreg:$0x1] =	wrdreg $0xFFFFFFFF  }
0x39: {  	_ =	task.clear_ibuf [dreg:s7], $0x2FFFF;
	_ =	strace $0x9FFFFFFF  }
0x3a: {  	(tm) =	ssettm $0x7FFFFFFF  }
0x3b: {  	_ =	shalt  }
tec
execute0_lowered:
.L_overlay_start_1:
0x0: {  	(tag) =	ssettag $0x1  }
0x1: {  	s0 =	srdreg.scid  }
0x2: {  	s1 =	sshll.u32 s0, $0x4  }
0x3: {  	s4 =	rddreg [dreg:$0x0];
	s0 =	stileid.u32;
	s1 =	sand.u32 $0x10, s1  }
0x4: {  	s2 =	rddreg [dreg:$0x1];
	s7 =	simm.s32 $0x1;
	s1 =	sor.u32 s0, s1  }
0x5: {  	s8 =	simm.s32 $0x2;
	s11 =	simm.s32 $0x0;
	s3 =	sshll.u32 s1, $0x7  }
0x6: {  	s10 =	simm.s32 $0x0;
	s4 =	sadd.s32 $0x200C00, s4;
	s6 =	ssub.s32 $0x100000, s3  }
.Ltmp0:
0x7: {  	s1 =	rddreg [dreg:$0x2];
	s5 =	sand.u32 $0xF80, s6;
	(pc) =	sbr.rel .LBB1_1-.Ltmp0, $4  }
0x8: {  	_ =	strace $0x80000047;
	s9 =	smov.u32 s3;
	p0 =	sne.s32 s5, $0x0  }
0x9: {  	s6 =	sshrl.u32 s6, $0xC;
	s5 =	simm.s32 $0x1;
	s7 =	simm.s32 @!p0 $0x0  }
0xa: {  	[sflag:s5] =	ssyncpa.u1 $0x0;
	p0 =	por $0x0, $0x0;
	s6 =	sadd.s32 s7, s6  }
0xb: {  	[sflag:s8] =	ssyncpa.u1 $0x0;
	s8 =	simm.s32 $0x800000;
	s7 =	sadd.s32 $0x1, s6  }
.LBB1_4:
0xc: {  	[tilespmem:s12+$0xFFFFFFFC ss:$0x81] =	vst.msk $0xffff, v2;
	s14 =	sshll.u32 s11, $0x3  }
0xd: {  	[tilespmem:s12+$0xFFFFFFFD ss:$0x81] =	vst.msk $0xffff, v3;
	s15 =	sand.u32 $0x78, s11;
	s14 =	sand.u32 $0xFFC00, s14  }
0xe: {  	[tilespmem:s12+$0xFFFFFFFE ss:$0x81] =	vst.msk $0xffff, v1;
	s29 =	sand.u32 $0x1E0000, s11;
	s30 =	sand.u32 $0x7, s11;
	s14 =	sor.u32 s15, s14  }
0xf: {  	[tilespmem:s12+$0xFFFFFFFF ss:$0x81] =	vst.msk $0xffff, v4;
	s11 =	sshll.u32 s30, $0x12;
	s15 =	sadd.s32 s2, s29;
	s14 =	sshrl.u32 s14, $0x3  }
0x10: {  	[tilespmem:s12+$0xFFFFFFF9 ss:$0x81] =	vst.msk $0xffff, v0;
	s11 =	sor.u32 $0x400, s11;
	s31 =	sadd.s32 s14, s15  }
0x11: {  	[hbm4b:s31+s11] =	stream.strided.scatter [tilespmem:s13], [sflag:$0x2], $0x800, s8, s11, $0x20;
	[tilespmem:$0x2020] =	vst v63  }
.LBB1_5:
0x12: {  	s13 =	sadd.s32 $0x1000, s9  }
0x13: {  	p2 =	sgt.s32 s13, $0xFFFFF  }
0x14: {  	s13 =	smov.u32 @p2 s3;
	p2 =	sne.s32 s10, s7  }
.Ltmp1:
0x15: {  	p1 =	slt.u32 s10, $0x2;
	(pc) =	sbr.rel @!p2 .LBB1_6-.Ltmp1, $4  }
0x16: {  	s12 =	simm.s32 @!p1 $0x2  }
0x17: {  	s14 =	sadd.s32 $0x1, s10;
	_ =	swait.ge @!p1 [sflag:s12], $0x800  }
0x18: {  	s11 =	smov.u32 s9;
	p0 =	por !p0, !p0;
	[sflag:s12] =	ssyncset.done @!p1 $0x0  }
0x19: {  	s10 =	smov.u32 s14;
	s9 =	smov.u32 s13;
	[sflag:s12] =	ssyncadd.s32 @!p1 $0xFFFFF800  }
.LBB1_1:
0x1a: {  	p1 =	sge.u32 s10, s6  }
0x1b: {  	s31 =	sadd.s32 $0xFFFFFFFF, s10;
	s12 =	sxor.u32 @!p1 $0xFFFFFFFF, s10;
	s13 =	sshll.u32 @!p1 s9, $0x4  }
0x1c: {  	s14 =	simm.s32 @!p1 $0x10;
	s12 =	sshll.u32 @!p1 s12, $0xB;
	s13 =	sand.u32 @!p1 $0xFFFFF0, s13  }
0x1d: {  	s15 =	simm.s32 @!p1 $0x80;
	s12 =	sand.u32 @!p1 $0x800, s12;
	s13 =	sadd.s32 @!p1 s4, s13  }
0x1e: {  	[tilespmem:s12], [sflag:$0x1] =	stream.strided.gather @!p1 [hbm4b:s13+s14], $0x800, s15, s14, $0x38;
	[tilespmem:$0x2020] =	vst v63  }
0x1f: {  	p1 =	sge.u32 s31, s6  }
.Ltmp2:
0x20: {  	_ = 	snop;
	(pc) =	sbr.rel @p1 .LBB1_5-.Ltmp2, $1  }
0x21: {  	_ =	sdelay $0x3  }
0x22: {  	s12 =	simm.s32 $0x1  }
0x23: {  	_ =	swait.ge [sflag:s5], $0x800;
	s12 =	simm.s32 @!p0 $0x0  }
0x24: {  	[sflag:s5] =	ssyncset.done $0x0;
	s13 =	sshll.u32 s12, $0xB  }
0x25: {  	[sflag:s5] =	ssyncadd.s32 $0xFFFFF800;
	s15 =	sor.u32 $0x40, s13  }
0x26: {  	v0 =	vld [tilespmem:s15+$0x30]  }
0x27: {  	s12 =	smul.u32 $0x2040, s12;
	v4 =	vld [tilespmem:s15+$0xFFFFFFD0]  }
0x28: {  	v5 =	vld [tilespmem:s15+$0xFFFFFFE0]  }
0x29: {  	s31 =	sand.u32 $0x1, s10;
	s12 =	sshrl.u32 s12, $0x2;
	v2 =	vld [tilespmem:s15+$0xFFFFFFF0]  }
0x2a: {  	s13 =	smul.u32 $0x2040, s31;
	v3 =	vld [tilespmem:s15+$0x0];
	s12 =	sor.u32 $0x1007, s12  }
0x2b: {  	v1 =	vld [tilespmem:s15+$0x10];
	[tilespmem:s12+$0x0 ss:$0x81] =	vst.msk $0xffff, v0  }
0x2c: {  	s13 =	sshrl.u32 s13, $0x2;
	[tilespmem:s12+$0xFFFFFFFA ss:$0x81] =	vst.msk $0xffff, v4;
	v4 =	vld [tilespmem:s15+$0x20]  }
0x2d: {  	s14 =	simm.s32 $0x0;
	s13 =	sor.u32 $0x1000, s13;
	v0 =	vld [tilespmem:s15+$0xFFFFFFC0];
	[tilespmem:s12+$0xFFFFFFFB ss:$0x81] =	vst.msk $0xffff, v5;
	s15 =	sadd.s32 $0x80, s15  }
.LBB1_3:
0x2e: {  	v5 =	vld [tilespmem:s15+$0x30];
	s14 =	sadd.s32 $0x8, s14;
	[tilespmem:s12+$0xFFFFFFFC ss:$0x81] =	vst.msk $0xffff, v2  }
0x2f: {  	v6 =	vld [tilespmem:s15+$0xFFFFFFD0];
	p1 =	slt.u32 s14, $0x78;
	[tilespmem:s12+$0xFFFFFFFD ss:$0x81] =	vst.msk $0xffff, v3  }
0x30: {  	v7 =	vld [tilespmem:s15+$0xFFFFFFE0];
	[tilespmem:s12+$0xFFFFFFFE ss:$0x81] =	vst.msk $0xffff, v1  }
.Ltmp3:
0x31: {  	v2 =	vld [tilespmem:s15+$0xFFFFFFF0];
	[tilespmem:s12+$0xFFFFFFFF ss:$0x81] =	vst.msk $0xffff, v4;
	(pc) =	sbr.rel @p1 .LBB1_3-.Ltmp3, $4  }
0x32: {  	v3 =	vld [tilespmem:s15+$0x0];
	[tilespmem:s12+$0xFFFFFFF9 ss:$0x81] =	vst.msk $0xffff, v0;
	s12 =	sadd.s32 $0x8, s12  }
0x33: {  	v1 =	vld [tilespmem:s15+$0x10];
	[tilespmem:s12+$0x0 ss:$0x81] =	vst.msk $0xffff, v5  }
0x34: {  	[tilespmem:s12+$0xFFFFFFFA ss:$0x81] =	vst.msk $0xffff, v6;
	v4 =	vld [tilespmem:s15+$0x20]  }
0x35: {  	v0 =	vld [tilespmem:s15+$0xFFFFFFC0];
	[tilespmem:s12+$0xFFFFFFFB ss:$0x81] =	vst.msk $0xffff, v7;
	s15 =	sadd.s32 $0x80, s15  }
.Ltmp4:
0x36: {  	_ = 	snop;
	(pc) =	sbr.rel .LBB1_4-.Ltmp4, $1  }
0x37: {  	_ =	sdelay $0x3  }
.LBB1_6:
0x38: {  	_ =	sfence.sel $0x180000  }
0x39: {  	s2 =	simm.s32 $0x1;
	[bflag:$0x0] =	sbarrier.arrive $0xFFFF  }
0x3a: {  	s31 =	simm.s32 $0x2;
	[sflag:s2] =	ssyncpa.u1 $0x1  }
0x3b: {  	[sflag:s31] =	ssyncpa.u1 $0x1  }
0x3c: {  	p0 =	sne.s32 s0, $0x0;
	_ =	strace $0x90000047  }
0x3d: {  	s0 =	sadd.s32 @!p0 $0x100000, s1;
	[bflag:$0x2] =	sbarrier.arrive $0xFFFF  }
0x3e: {  	[sflag:s0] =	ssyncadd.tile.s32 @!p0 $0x1;
	_ =	shalt  }
.Lfunc_end1:
_tile_overlayer_lowered:
.L_overlay_start_2:
0x3f: {  	(tag) =	ssettag $0x2  }
0x40: {  	s0 =	rddreg [dreg:$0x0];
	s2 =	stileid.u32  }
0x41: {  	s1 =	rddreg [dreg:$0x1];
	p0 =	sne.s32 s2, $0x0  }
0x42: {  	s3 =	rddreg [dreg:$0x2];
	[bflag:$0x3] =	sbarrier.arrive $0xFFFF;
	s2 =	simm.s32 @!p0 $0x1C01  }
0x43: {  	[timem:s3], [sflag:s2] =	dma.local @!p0 [hbm:s0], s1  }
0x44: {  	s0 =	simm.s32 @!p0 $0x1  }
0x45: {  	_ =	swait.ge @!p0 [sflag:s0], s1  }
0x46: {  	s1 =	ssub.s32 @!p0 $0x0, s1;
	[sflag:s0] =	ssyncset.done @!p0 $0x0  }
0x47: {  	[sflag:s0] =	ssyncadd.s32 @!p0 s1  }
0x48: {  	[bflag:$0x3] =	sbarrier.arrive $0xFFFF  }
0x49: {  	_ =	shalt  }

</sc_bundles>
